<compile_context>
chip_gen: v7x
topology: tpu7x:2x2x1
jax: 0.10.2.dev20260603
libtpu: 0.0.44.dev20260713+nightly
codegen_flags: <defaults>
</compile_context>

<pallas_src>
import functools

import jax
import jax.numpy as jnp
from jax import lax
from jax.experimental import pallas as pl
from jax.experimental.pallas import tpu as pltpu
from jax.experimental.pallas import tpu_sc as plsc

B = 16
POSE_DIM = 72
SD_DIM = 72
FC_DIM = 1024
LATENT_DIM = 256
NUM_EMB = 1024
COMMIT = 0.25


def _dist_body(x_ref, emb_ref, d_ref):
    x = x_ref[...]
    e = emb_ref[...]
    x2 = jnp.sum(x * x, axis=1, keepdims=True)
    e2 = jnp.sum(e * e, axis=1, keepdims=True)
    xe = lax.dot_general(x, e, (((1,), (1,)), ((), ())),
                         preferred_element_type=jnp.float32)
    d_ref[...] = x2 + e2.T - 2.0 * xe


def _dist_pallas(latent, emb):
    return pl.pallas_call(
        _dist_body,
        out_shape=jax.ShapeDtypeStruct((B, NUM_EMB), jnp.float32),
    )(latent, emb)


_SC_MESH = plsc.VectorSubcoreMesh(core_axis_name="c", subcore_axis_name="s")
_CHUNK = 16


@functools.partial(
    pl.kernel,
    mesh=_SC_MESH,
    compiler_params=pltpu.CompilerParams(needs_layout_passes=False),
    out_type=[
        jax.ShapeDtypeStruct((B, LATENT_DIM), jnp.float32),
        jax.ShapeDtypeStruct((B, _CHUNK), jnp.int32),
    ],
    scratch_types=[
        pltpu.VMEM((NUM_EMB,), jnp.float32),
        pltpu.VMEM((_CHUNK,), jnp.int32),
        pltpu.VMEM((_CHUNK, LATENT_DIM), jnp.float32),
        pltpu.SemaphoreType.DMA,
    ],
)
def _sc_vq_lookup(d_hbm, emb_hbm, q_hbm, idx_hbm, d_v, irow_v, rows_v, sem):
    wid = lax.axis_index("s") * 2 + lax.axis_index("c")

    @pl.when(wid < B)
    def _():
        pltpu.sync_copy(d_hbm.at[wid], d_v)

        def step(k, carry):
            minv, mini = carry
            vals = d_v[pl.ds(k * _CHUNK, _CHUNK)]
            col = k * _CHUNK + lax.iota(jnp.int32, _CHUNK)
            take = vals < minv
            return jnp.where(take, vals, minv), jnp.where(take, col, mini)

        minv0 = jnp.full((_CHUNK,), jnp.inf, jnp.float32)
        mini0 = jnp.full((_CHUNK,), NUM_EMB, jnp.int32)
        minv, mini = lax.fori_loop(0, NUM_EMB // _CHUNK, step, (minv0, mini0))

        def bmax(v):
            return plsc.cummax(lax.rev(plsc.cummax(v), (0,)))

        gmin = -bmax(-minv)
        cand = jnp.where(minv == gmin, mini, NUM_EMB)
        idx_vec = -bmax(-cand)

        irow_v[...] = idx_vec
        pltpu.sync_copy(irow_v, idx_hbm.at[wid])
        pltpu.async_copy(emb_hbm.at[idx_vec], rows_v, sem).wait()
        pltpu.sync_copy(rows_v.at[pl.ds(0, 1)], q_hbm.at[pl.ds(wid, 1)])


def _mm(a, w):
    return lax.dot_general(a, w, (((1,), (1,)), ((), ())),
                           preferred_element_type=jnp.float32)


def _stats_decoder_body(x_ref, q_ref, idx_ref, c_ref,
                        w1, b1, w2, b2, w3, b3, w4, b4, w5, b5, w6, b6,
                        loss_ref, perp_ref, out_ref):
    x = x_ref[...]
    q = q_ref[...]
    idx = idx_ref[...][:, :1]
    diff = q - x
    loss_ref[0] = COMMIT * jnp.mean(diff * diff)
    col = lax.broadcasted_iota(jnp.int32, (B, NUM_EMB), 1)
    enc = (col == idx).astype(jnp.float32)
    avg = jnp.sum(enc, axis=0, keepdims=True) / enc.shape[0]
    perp_ref[0] = jnp.exp(-jnp.sum(avg * jnp.log(avg + 1e-10)))
    c = c_ref[...]
    d = jax.nn.relu(_mm(q, w1[...]) + b1[...])
    d = jax.nn.relu(_mm(d, w2[...]) + b2[...])
    c2 = jax.nn.relu(_mm(c, w3[...]) + b3[...])
    d = jnp.concatenate([d, c2], axis=1)
    d = jax.nn.relu(_mm(d, w4[...]) + b4[...])
    d = jax.nn.relu(_mm(d, w5[...]) + b5[...])
    out_ref[...] = _mm(d, w6[...]) + b6[...]


def _stats_decoder_pallas(latent, q, idx, c, p):
    loss, perp, x_recon = pl.pallas_call(
        _stats_decoder_body,
        out_shape=[
            jax.ShapeDtypeStruct((1,), jnp.float32),
            jax.ShapeDtypeStruct((1,), jnp.float32),
            jax.ShapeDtypeStruct((B, SD_DIM), jnp.float32),
        ],
        out_specs=[
            pl.BlockSpec(memory_space=pltpu.SMEM),
            pl.BlockSpec(memory_space=pltpu.SMEM),
            pl.BlockSpec(memory_space=pltpu.VMEM),
        ],
        compiler_params=pltpu.CompilerParams(vmem_limit_bytes=100 * 1024 * 1024),
    )(latent, q, idx, c,
      p["d_fc1w"], p["d_fc1b"], p["d_fc2w"], p["d_fc2b"],
      p["d_fc3w"], p["d_fc3b"], p["d_fc4w"], p["d_fc4b"],
      p["d_fc5w"], p["d_fc5b"], p["d_fc6w"], p["d_fc6b"])
    return loss[0], perp[0], x_recon


def _conv2d(x, w, b, stride, pad):
    y = lax.conv_general_dilated(
        x, w, (stride, stride), [(pad, pad), (pad, pad)],
        dimension_numbers=("NCHW", "OIHW", "NCHW"))
    return y + b[None, :, None, None]


def _maxpool3x3s2(x):
    return lax.reduce_window(x, -jnp.inf, lax.max, (1, 1, 3, 3), (1, 1, 2, 2), "VALID")


def _alexnet_features(x, p):
    x = jax.nn.relu(_conv2d(x, p["c1w"], p["c1b"], 4, 2))
    x = _maxpool3x3s2(x)
    x = jax.nn.relu(_conv2d(x, p["c2w"], p["c2b"], 1, 2))
    x = _maxpool3x3s2(x)
    x = jax.nn.relu(_conv2d(x, p["c3w"], p["c3b"], 1, 1))
    x = jax.nn.relu(_conv2d(x, p["c4w"], p["c4b"], 1, 1))
    x = jax.nn.relu(_conv2d(x, p["c5w"], p["c5b"], 1, 1))
    x = _maxpool3x3s2(x)
    return x.reshape(x.shape[0], -1)


def _condition_encoder(pose, img, img_crop, img_zoom, p):
    pf = jax.nn.relu(pose @ p["ce_fc1w"].T + p["ce_fc1b"])
    a1 = _alexnet_features(img, p)
    a2 = _alexnet_features(img_crop, p)
    a3 = _alexnet_features(img_zoom, p)
    f = jnp.concatenate([a1, a2, a3], axis=0)
    f = jax.nn.relu(f @ p["fc6w"].T + p["fc6b"])
    f = jax.nn.relu(f @ p["fc7w"].T + p["fc7b"])
    f1, f2, f3 = jnp.split(f, 3, axis=0)
    h = jnp.concatenate([pf, f1, f2, f3], axis=1)
    return jax.nn.relu(h @ p["ce_fc2w"].T + p["ce_fc2b"])


def kernel(x, pose, img, img_crop, img_zoom, params):
    p = params
    h = jax.nn.relu(x @ p["e_fc1w"].T + p["e_fc1b"])
    h = jax.nn.relu(h @ p["e_fc2w"].T + p["e_fc2b"])
    c = _condition_encoder(pose, img, img_crop, img_zoom, p)
    latent = jnp.concatenate([h, c], axis=1) @ p["e_flw"].T + p["e_flb"]
    dmat = _dist_pallas(latent, p["emb"])
    q, idx = _sc_vq_lookup(dmat, p["emb"])
    loss, perp, x_recon = _stats_decoder_pallas(latent, q, idx, c, p)
    return loss, x_recon, perp

# --- scband reference (transcript-rebuilt; emitter-appended) ---
"""Pipeline reference for scband-vq-vae-11845519802891 (READ-ONLY COPY).

The authoritative reference and input builder live on the scoring server;
editing this copy changes nothing except your own understanding.
"""

import jax, jax.numpy as jnp
import numpy as np

B = 16
POSE_DIM = 72
SD_DIM = 72
FC_DIM = 1024
LATENT_DIM = 256
NUM_EMB = 1024
COMMIT = 0.25


def conv2d(x, w, b, stride, pad):
    y = jax.lax.conv_general_dilated(x, w, (stride, stride), [(pad, pad), (pad, pad)], dimension_numbers=("NCHW", "OIHW", "NCHW"))
    return y + b[None, :, None, None]


def maxpool3x3s2(x):
    return jax.lax.reduce_window(x, -jnp.inf, jax.lax.max, (1, 1, 3, 3), (1, 1, 2, 2), "VALID")


def alexnet_fc7(x, p):
    # torchvision AlexNet features -> adaptive avgpool(6,6) (identity for 224 input) -> flatten -> classifier up to fc7 ReLU (dropout = identity in eval)
    x = jax.nn.relu(conv2d(x, p["c1w"], p["c1b"], 4, 2))
    x = maxpool3x3s2(x)
    x = jax.nn.relu(conv2d(x, p["c2w"], p["c2b"], 1, 2))
    x = maxpool3x3s2(x)
    x = jax.nn.relu(conv2d(x, p["c3w"], p["c3b"], 1, 1))
    x = jax.nn.relu(conv2d(x, p["c4w"], p["c4b"], 1, 1))
    x = jax.nn.relu(conv2d(x, p["c5w"], p["c5b"], 1, 1))
    x = maxpool3x3s2(x)
    x = x.reshape(x.shape[0], -1)
    x = jax.nn.relu(x @ p["fc6w"].T + p["fc6b"])
    x = jax.nn.relu(x @ p["fc7w"].T + p["fc7b"])
    return x


def condition_encoder(pose, img, img_crop, img_zoom, p):
    pf = jax.nn.relu(pose @ p["ce_fc1w"].T + p["ce_fc1b"])
    f1 = alexnet_fc7(img, p)
    f2 = alexnet_fc7(img_crop, p)
    f3 = alexnet_fc7(img_zoom, p)
    h = jnp.concatenate([pf, f1, f2, f3], axis=1)
    return jax.nn.relu(h @ p["ce_fc2w"].T + p["ce_fc2b"])


def vq_ema(inputs, emb, commitment_cost):
    d = jnp.sum(inputs ** 2, axis=1, keepdims=True) + jnp.sum(emb ** 2, axis=1) - 2.0 * (inputs @ emb.T)
    idx = jnp.argmin(d, axis=1)
    enc = jax.nn.one_hot(idx, emb.shape[0], dtype=inputs.dtype)
    quantized = enc @ emb
    # EMA buffer updates do not affect this pass's outputs (quantized computed before update); omitted.
    e_latent_loss = jnp.mean((jax.lax.stop_gradient(quantized) - inputs) ** 2)
    loss = commitment_cost * e_latent_loss
    quantized = inputs + jax.lax.stop_gradient(quantized - inputs)
    avg = jnp.mean(enc, axis=0)
    perplexity = jnp.exp(-jnp.sum(avg * jnp.log(avg + 1e-10)))
    return loss, quantized, perplexity


def model_forward(x, pose, img, img_crop, img_zoom, p):
    # Encoder
    h = jax.nn.relu(x @ p["e_fc1w"].T + p["e_fc1b"])
    h = jax.nn.relu(h @ p["e_fc2w"].T + p["e_fc2b"])
    c = condition_encoder(pose, img, img_crop, img_zoom, p)
    latent = jnp.concatenate([h, c], axis=1) @ p["e_flw"].T + p["e_flb"]
    loss, q, perp = vq_ema(latent, p["emb"], COMMIT)
    # Decoder (calls the shared condition encoder a second time, as in torch)
    d = jax.nn.relu(q @ p["d_fc1w"].T + p["d_fc1b"])
    d = jax.nn.relu(d @ p["d_fc2w"].T + p["d_fc2b"])
    c2 = condition_encoder(pose, img, img_crop, img_zoom, p)
    c2 = jax.nn.relu(c2 @ p["d_fc3w"].T + p["d_fc3b"])
    d = jnp.concatenate([d, c2], axis=1)
    d = jax.nn.relu(d @ p["d_fc4w"].T + p["d_fc4b"])
    d = jax.nn.relu(d @ p["d_fc5w"].T + p["d_fc5b"])
    x_recon = d @ p["d_fc6w"].T + p["d_fc6b"]
    return loss, x_recon, perp


def setup_inputs(seed: int = 0) -> dict:
    key = jax.random.key(seed)
    ks = iter(jax.random.split(key, 64))
    p = {}

    def rn(shape, scale=0.02):
        return jax.random.normal(next(ks), shape, jnp.float32) * scale

    def lin(name, out_f, in_f):
        p[name + "w"] = rn((out_f, in_f))
        p[name + "b"] = jnp.zeros((out_f,), jnp.float32)

    # AlexNet backbone weights
    p["c1w"] = rn((64, 3, 11, 11)); p["c1b"] = jnp.zeros((64,), jnp.float32)
    p["c2w"] = rn((192, 64, 5, 5)); p["c2b"] = jnp.zeros((192,), jnp.float32)
    p["c3w"] = rn((384, 192, 3, 3)); p["c3b"] = jnp.zeros((384,), jnp.float32)
    p["c4w"] = rn((256, 384, 3, 3)); p["c4b"] = jnp.zeros((256,), jnp.float32)
    p["c5w"] = rn((256, 256, 3, 3)); p["c5b"] = jnp.zeros((256,), jnp.float32)
    lin("fc6", 4096, 9216)
    lin("fc7", 4096, 4096)
    # ConditionEncoder
    lin("ce_fc1", FC_DIM, POSE_DIM)
    lin("ce_fc2", FC_DIM, FC_DIM + 3 * 4096)
    # Encoder
    lin("e_fc1", FC_DIM, SD_DIM)
    lin("e_fc2", FC_DIM, FC_DIM)
    lin("e_fl", LATENT_DIM, 2 * FC_DIM)
    # Decoder
    lin("d_fc1", FC_DIM, LATENT_DIM)
    lin("d_fc2", FC_DIM, FC_DIM)
    lin("d_fc3", FC_DIM, FC_DIM)
    lin("d_fc4", FC_DIM, 2 * FC_DIM)
    lin("d_fc5", FC_DIM, FC_DIM)
    lin("d_fc6", SD_DIM, FC_DIM)
    # VQ codebook (normal_() init per torch)
    p["emb"] = jax.random.normal(next(ks), (NUM_EMB, LATENT_DIM), jnp.float32)

    x = jax.random.normal(next(ks), (B, SD_DIM), jnp.float32)
    pose = jax.random.normal(next(ks), (B, POSE_DIM), jnp.float32)
    img = jax.random.normal(next(ks), (B, 3, 224, 224), jnp.float32)
    img_crop = jax.random.normal(next(ks), (B, 3, 224, 224), jnp.float32)
    img_zoom = jax.random.normal(next(ks), (B, 3, 224, 224), jnp.float32)
    return {"x": x, "pose": pose, "img": img, "img_crop": img_crop, "img_zoom": img_zoom, "params": p}


def reference(x, pose, img, img_crop, img_zoom, params):
    return model_forward(x, pose, img, img_crop, img_zoom, params)

if __name__ == "__main__":
    import jax
    _d = setup_inputs()
    print(jax.jit(kernel)(*tuple(_d.values())))

</pallas_src>

<mosaic_0001>
#map = affine_map<(d0, d1) -> (0, 0)>
module attributes {stable_mosaic.version = 14 : i64} {
  func.func @_sc_vq_lookup(%arg0: i32, %arg1: i32, %arg2: memref<16x1024xf32, #tpu.memory_space<hbm>>, %arg3: memref<1024x256xf32, #tpu.memory_space<hbm>>, %arg4: memref<16x256xf32, #tpu.memory_space<hbm>>, %arg5: memref<16x16xi32, #tpu.memory_space<hbm>>, %arg6: memref<1024xf32, #tpu.memory_space<vmem>>, %arg7: memref<16xi32, #tpu.memory_space<vmem>>, %arg8: memref<16x256xf32, #tpu.memory_space<vmem>>, %arg9: memref<!tpu.dma_semaphore, #tpu.memory_space<semaphore_mem>>) attributes {dimension_semantics = [#tpu.dimension_semantics<core_parallel>, #tpu.dimension_semantics<subcore_parallel>], iteration_bounds = array<i64: 2, 16>, scalar_prefetch = 0 : i64, scratch_operands = 4 : i64, tpu.core_type = #tpu.core_type<sc_vector_subcore>, window_params = [{transform_indices = #map}, {transform_indices = #map}, {transform_indices = #map}, {transform_indices = #map}]} {
    %mul3A = arith.constant 2 : i32
    %mul3A_0 = arith.muli %arg1, %mul3A : i32
    %add3A = arith.addi %mul3A_0, %arg0 : i32
    %lt3A = arith.constant 16 : i32
    %lt3A_1 = arith.cmpi slt, %add3A, %lt3A : i32
    %convert_element_type3A = arith.extui %lt3A_1 : i1 to i32
    %cond3A = arith.constant 0 : i32
    %cond3A_2 = arith.cmpi ne, %convert_element_type3A, %cond3A : i32
    scf.if %cond3A_2 {
      "tpu.region"() ({
        %run_scoped3A = tpu.sem_alloc : memref<!tpu.dma_semaphore, #tpu.memory_space<semaphore_mem>>
        %dma_start3A_56 = arith.constant 0 : i32
        %dma_start3A_57 = tpu.memref_slice %arg2[%add3A, %dma_start3A_56] : memref<16x1024xf32, #tpu.memory_space<hbm>> -> memref<1x1024xf32, #tpu.memory_space<hbm>>
        %dma_start3A_58 = tpu.memref_squeeze %dma_start3A_57 : memref<1x1024xf32, #tpu.memory_space<hbm>> -> memref<1024xf32, #tpu.memory_space<hbm>>
        %dma_start3A_59 = arith.constant 0 : i32
        %dma_start3A_60 = tpu.memref_slice %arg2[%add3A, %dma_start3A_59] : memref<16x1024xf32, #tpu.memory_space<hbm>> -> memref<1x1024xf32, #tpu.memory_space<hbm>>
        %dma_start3A_61 = tpu.memref_squeeze %dma_start3A_60 : memref<1x1024xf32, #tpu.memory_space<hbm>> -> memref<1024xf32, #tpu.memory_space<hbm>>
        tpu.enqueue_dma source(%dma_start3A_61 : memref<1024xf32, #tpu.memory_space<hbm>>) target(%arg6 : memref<1024xf32, #tpu.memory_space<vmem>>) target_semaphore(%run_scoped3A : memref<!tpu.dma_semaphore, #tpu.memory_space<semaphore_mem>>)
        %dma_wait3A_62 = arith.constant 0 : i32
        %dma_wait3A_63 = tpu.memref_slice %arg2[%add3A, %dma_wait3A_62] : memref<16x1024xf32, #tpu.memory_space<hbm>> -> memref<1x1024xf32, #tpu.memory_space<hbm>>
        %dma_wait3A_64 = tpu.memref_squeeze %dma_wait3A_63 : memref<1x1024xf32, #tpu.memory_space<hbm>> -> memref<1024xf32, #tpu.memory_space<hbm>>
        %dma_wait3A_65 = arith.constant 0 : i32
        %dma_wait3A_66 = tpu.memref_slice %arg2[%add3A, %dma_wait3A_65] : memref<16x1024xf32, #tpu.memory_space<hbm>> -> memref<1x1024xf32, #tpu.memory_space<hbm>>
        %dma_wait3A_67 = tpu.memref_squeeze %dma_wait3A_66 : memref<1x1024xf32, #tpu.memory_space<hbm>> -> memref<1024xf32, #tpu.memory_space<hbm>>
        tpu.wait_dma2 semaphore(%run_scoped3A : memref<!tpu.dma_semaphore, #tpu.memory_space<semaphore_mem>>) src(%dma_wait3A_67 : memref<1024xf32, #tpu.memory_space<hbm>>) dst(%arg6 : memref<1024xf32, #tpu.memory_space<vmem>>)
        tpu.yield
      }) : () -> ()
      %broadcast_in_dim3A = arith.constant 0x7F800000 : f32
      %broadcast_in_dim3A_3 = vector.broadcast %broadcast_in_dim3A : f32 to vector<16xf32>
      %broadcast_in_dim3A_4 = arith.constant 1024 : i32
      %broadcast_in_dim3A_5 = vector.broadcast %broadcast_in_dim3A_4 : i32 to vector<16xi32>
      %scan3A = arith.constant 0 : i32
      %scan3A_6 = arith.constant 64 : i32
      %scan3A_7 = arith.addi %scan3A, %scan3A_6 : i32
      %scan3A_8 = arith.constant 1 : i32
      %scan3A_9:2 = scf.for %scan3A_56 = %scan3A to %scan3A_7 step %scan3A_8 iter_args(%scan3A_57 = %broadcast_in_dim3A_3, %scan3A_58 = %broadcast_in_dim3A_5) -> (vector<16xf32>, vector<16xi32>)  : i32 {
        %mul3A_59 = arith.constant 16 : i32
        %mul3A_60 = arith.muli %scan3A_56, %mul3A_59 : i32
        %get3A = arith.index_cast %mul3A_60 : i32 to index
        %get3A_61 = tpu.vector_load %arg6[%get3A] {strides = array<i32>} : memref<1024xf32, #tpu.memory_space<vmem>>, vector<16xf32>,
        %mul3A_62 = arith.constant 16 : i32
        %mul3A_63 = arith.muli %scan3A_56, %mul3A_62 : i32
        %iota3A = tpu.iota {dimensions = array<i32: 0>} : vector<16xi32>
        %add3A_64 = vector.broadcast %mul3A_63 : i32 to vector<16xi32>
        %add3A_65 = arith.addi %add3A_64, %iota3A : vector<16xi32>
        %lt3A_66 = arith.cmpf olt, %get3A_61, %scan3A_57 : vector<16xf32>
        %select_n3A_67 = arith.select %lt3A_66, %get3A_61, %scan3A_57 : vector<16xi1>, vector<16xf32>
        %select_n3A_68 = arith.select %lt3A_66, %add3A_65, %scan3A_58 : vector<16xi1>, vector<16xi32>
        scf.yield %select_n3A_67, %select_n3A_68 : vector<16xf32>, vector<16xi32>
      }
      %scan3A_10 = arith.constant 64 : i32
      %neg3A = arith.constant 0.000000e+00 : f32
      %neg3A_11 = vector.broadcast %neg3A : f32 to vector<16xf32>
      %neg3A_12 = arith.subf %neg3A_11, %scan3A_9#0 : vector<16xf32>
      %broadcast_in_dim3A_13 = arith.constant true
      %broadcast_in_dim3A_14 = vector.broadcast %broadcast_in_dim3A_13 : i1 to vector<16xi1>
      %masked_cummax3A = tpu.scan <max>, %neg3A_12 masked %broadcast_in_dim3A_14 : vector<16xf32>, vector<16xi1> -> vector<16xf32>
      %rev3A = arith.constant 15 : i32
      %rev3A_15 = vector.broadcast %rev3A : i32 to vector<16xi32>
      %rev3A_16 = tpu.iota {dimensions = array<i32: 0>} : vector<16xi32>
      %rev3A_17 = arith.subi %rev3A_15, %rev3A_16 : vector<16xi32>
      %rev3A_18 = tpu.dynamic_gather %masked_cummax3A[%rev3A_17] in [0] : vector<16xf32>, vector<16xi32> -> vector<16xf32>
      %broadcast_in_dim3A_19 = arith.constant true
      %broadcast_in_dim3A_20 = vector.broadcast %broadcast_in_dim3A_19 : i1 to vector<16xi1>
      %masked_cummax3A_21 = tpu.scan <max>, %rev3A_18 masked %broadcast_in_dim3A_20 : vector<16xf32>, vector<16xi1> -> vector<16xf32>
      %neg3A_22 = arith.constant 0.000000e+00 : f32
      %neg3A_23 = vector.broadcast %neg3A_22 : f32 to vector<16xf32>
      %neg3A_24 = arith.subf %neg3A_23, %masked_cummax3A_21 : vector<16xf32>
      %eq3A = arith.cmpf oeq, %scan3A_9#0, %neg3A_24 : vector<16xf32>
      %jit3A = arith.constant 1024 : i32
      %broadcast_in_dim3A_25 = vector.broadcast %jit3A : i32 to vector<16xi32>
      %select_n3A = arith.select %eq3A, %scan3A_9#1, %broadcast_in_dim3A_25 : vector<16xi1>, vector<16xi32>
      %neg3A_26 = arith.constant 0 : i32
      %neg3A_27 = vector.broadcast %neg3A_26 : i32 to vector<16xi32>
      %neg3A_28 = arith.subi %neg3A_27, %select_n3A : vector<16xi32>
      %broadcast_in_dim3A_29 = arith.constant true
      %broadcast_in_dim3A_30 = vector.broadcast %broadcast_in_dim3A_29 : i1 to vector<16xi1>
      %masked_cummax3A_31 = arith.constant -2147483648 : i32
      %masked_cummax3A_32 = vector.broadcast %masked_cummax3A_31 : i32 to vector<16xi32>
      %masked_cummax3A_33 = arith.xori %neg3A_28, %masked_cummax3A_32 : vector<16xi32>
      %masked_cummax3A_34 = tpu.scan <max>, %masked_cummax3A_33 masked %broadcast_in_dim3A_30 : vector<16xi32>, vector<16xi1> -> vector<16xi32>
      %masked_cummax3A_35 = arith.xori %masked_cummax3A_34, %masked_cummax3A_32 : vector<16xi32>
      %rev3A_36 = arith.constant 15 : i32
      %rev3A_37 = vector.broadcast %rev3A_36 : i32 to vector<16xi32>
      %rev3A_38 = tpu.iota {dimensions = array<i32: 0>} : vector<16xi32>
      %rev3A_39 = arith.subi %rev3A_37, %rev3A_38 : vector<16xi32>
      %rev3A_40 = tpu.dynamic_gather %masked_cummax3A_35[%rev3A_39] in [0] : vector<16xi32>, vector<16xi32> -> vector<16xi32>
      %broadcast_in_dim3A_41 = arith.constant true
      %broadcast_in_dim3A_42 = vector.broadcast %broadcast_in_dim3A_41 : i1 to vector<16xi1>
      %masked_cummax3A_43 = arith.constant -2147483648 : i32
      %masked_cummax3A_44 = vector.broadcast %masked_cummax3A_43 : i32 to vector<16xi32>
      %masked_cummax3A_45 = arith.xori %rev3A_40, %masked_cummax3A_44 : vector<16xi32>
      %masked_cummax3A_46 = tpu.scan <max>, %masked_cummax3A_45 masked %broadcast_in_dim3A_42 : vector<16xi32>, vector<16xi1> -> vector<16xi32>
      %masked_cummax3A_47 = arith.xori %masked_cummax3A_46, %masked_cummax3A_44 : vector<16xi32>
      %neg3A_48 = arith.constant 0 : i32
      %neg3A_49 = vector.broadcast %neg3A_48 : i32 to vector<16xi32>
      %neg3A_50 = arith.subi %neg3A_49, %masked_cummax3A_47 : vector<16xi32>
      %swap3A = arith.constant 0 : index
      %swap3A_51 = tpu.vector_load %arg7[%swap3A] {strides = array<i32>} : memref<16xi32, #tpu.memory_space<vmem>>, vector<16xi32>,
      tpu.vector_store %arg7[%swap3A], %neg3A_50 {strides = array<i32>} : memref<16xi32, #tpu.memory_space<vmem>>, vector<16xi32>,
      "tpu.region"() ({
        %run_scoped3A = tpu.sem_alloc : memref<!tpu.dma_semaphore, #tpu.memory_space<semaphore_mem>>
        %dma_start3A_56 = arith.constant 0 : i32
        %dma_start3A_57 = tpu.memref_slice %arg5[%add3A, %dma_start3A_56] : memref<16x16xi32, #tpu.memory_space<hbm>> -> memref<1x16xi32, #tpu.memory_space<hbm>>
        %dma_start3A_58 = tpu.memref_squeeze %dma_start3A_57 : memref<1x16xi32, #tpu.memory_space<hbm>> -> memref<16xi32, #tpu.memory_space<hbm>>
        %dma_start3A_59 = arith.constant 0 : i32
        %dma_start3A_60 = tpu.memref_slice %arg5[%add3A, %dma_start3A_59] : memref<16x16xi32, #tpu.memory_space<hbm>> -> memref<1x16xi32, #tpu.memory_space<hbm>>
        %dma_start3A_61 = tpu.memref_squeeze %dma_start3A_60 : memref<1x16xi32, #tpu.memory_space<hbm>> -> memref<16xi32, #tpu.memory_space<hbm>>
        tpu.enqueue_dma source(%arg7 : memref<16xi32, #tpu.memory_space<vmem>>) target(%dma_start3A_61 : memref<16xi32, #tpu.memory_space<hbm>>) target_semaphore(%run_scoped3A : memref<!tpu.dma_semaphore, #tpu.memory_space<semaphore_mem>>)
        %dma_wait3A_62 = arith.constant 0 : i32
        %dma_wait3A_63 = tpu.memref_slice %arg5[%add3A, %dma_wait3A_62] : memref<16x16xi32, #tpu.memory_space<hbm>> -> memref<1x16xi32, #tpu.memory_space<hbm>>
        %dma_wait3A_64 = tpu.memref_squeeze %dma_wait3A_63 : memref<1x16xi32, #tpu.memory_space<hbm>> -> memref<16xi32, #tpu.memory_space<hbm>>
        %dma_wait3A_65 = arith.constant 0 : i32
        %dma_wait3A_66 = tpu.memref_slice %arg5[%add3A, %dma_wait3A_65] : memref<16x16xi32, #tpu.memory_space<hbm>> -> memref<1x16xi32, #tpu.memory_space<hbm>>
        %dma_wait3A_67 = tpu.memref_squeeze %dma_wait3A_66 : memref<1x16xi32, #tpu.memory_space<hbm>> -> memref<16xi32, #tpu.memory_space<hbm>>
        tpu.wait_dma2 semaphore(%run_scoped3A : memref<!tpu.dma_semaphore, #tpu.memory_space<semaphore_mem>>) src(%arg7 : memref<16xi32, #tpu.memory_space<vmem>>) dst(%dma_wait3A_67 : memref<16xi32, #tpu.memory_space<hbm>>)
        tpu.yield
      }) : () -> ()
      %dma_start3A = arith.constant 0 : i32
      %dma_start3A_52 = arith.constant 0 : i32
      %dma_start3A_53 = tpu.memref_slice %arg3[%dma_start3A, %dma_start3A_52] : memref<1024x256xf32, #tpu.memory_space<hbm>> -> memref<1024x256xf32, #tpu.memory_space<hbm>>
      tpu.enqueue_indirect_dma source(%dma_start3A_53 : memref<1024x256xf32, #tpu.memory_space<hbm>>) target(%arg8 : memref<16x256xf32, #tpu.memory_space<vmem>>) offsets(%neg3A_50 : vector<16xi32>) semaphore(%arg9 : memref<!tpu.dma_semaphore, #tpu.memory_space<semaphore_mem>>)
      %dma_wait3A = arith.constant 0 : i32
      %dma_wait3A_54 = arith.constant 0 : i32
      %dma_wait3A_55 = tpu.memref_slice %arg3[%dma_wait3A, %dma_wait3A_54] : memref<1024x256xf32, #tpu.memory_space<hbm>> -> memref<1024x256xf32, #tpu.memory_space<hbm>>
      tpu.wait_indirect_dma semaphore(%arg9 : memref<!tpu.dma_semaphore, #tpu.memory_space<semaphore_mem>>) src(%dma_wait3A_55 : memref<1024x256xf32, #tpu.memory_space<hbm>>) dst(%arg8 : memref<16x256xf32, #tpu.memory_space<vmem>>)
      "tpu.region"() ({
        %run_scoped3A = tpu.sem_alloc : memref<!tpu.dma_semaphore, #tpu.memory_space<semaphore_mem>>
        %dma_start3A_56 = arith.constant 0 : i32
        %dma_start3A_57 = arith.constant 0 : i32
        %dma_start3A_58 = tpu.memref_slice %arg8[%dma_start3A_56, %dma_start3A_57] : memref<16x256xf32, #tpu.memory_space<vmem>> -> memref<1x256xf32, #tpu.memory_space<vmem>>
        %dma_start3A_59 = arith.constant 0 : i32
        %dma_start3A_60 = tpu.memref_slice %arg4[%add3A, %dma_start3A_59] : memref<16x256xf32, #tpu.memory_space<hbm>> -> memref<1x256xf32, #tpu.memory_space<hbm>>
        %dma_start3A_61 = arith.constant 0 : i32
        %dma_start3A_62 = tpu.memref_slice %arg4[%add3A, %dma_start3A_61] : memref<16x256xf32, #tpu.memory_space<hbm>> -> memref<1x256xf32, #tpu.memory_space<hbm>>
        %dma_start3A_63 = arith.constant 0 : i32
        %dma_start3A_64 = arith.constant 0 : i32
        %dma_start3A_65 = tpu.memref_slice %arg8[%dma_start3A_63, %dma_start3A_64] : memref<16x256xf32, #tpu.memory_space<vmem>> -> memref<1x256xf32, #tpu.memory_space<vmem>>
        tpu.enqueue_dma source(%dma_start3A_65 : memref<1x256xf32, #tpu.memory_space<vmem>>) target(%dma_start3A_62 : memref<1x256xf32, #tpu.memory_space<hbm>>) target_semaphore(%run_scoped3A : memref<!tpu.dma_semaphore, #tpu.memory_space<semaphore_mem>>)
        %dma_wait3A_66 = arith.constant 0 : i32
        %dma_wait3A_67 = arith.constant 0 : i32
        %dma_wait3A_68 = tpu.memref_slice %arg8[%dma_wait3A_66, %dma_wait3A_67] : memref<16x256xf32, #tpu.memory_space<vmem>> -> memref<1x256xf32, #tpu.memory_space<vmem>>
        %dma_wait3A_69 = arith.constant 0 : i32
        %dma_wait3A_70 = tpu.memref_slice %arg4[%add3A, %dma_wait3A_69] : memref<16x256xf32, #tpu.memory_space<hbm>> -> memref<1x256xf32, #tpu.memory_space<hbm>>
        %dma_wait3A_71 = arith.constant 0 : i32
        %dma_wait3A_72 = tpu.memref_slice %arg4[%add3A, %dma_wait3A_71] : memref<16x256xf32, #tpu.memory_space<hbm>> -> memref<1x256xf32, #tpu.memory_space<hbm>>
        %dma_wait3A_73 = arith.constant 0 : i32
        %dma_wait3A_74 = arith.constant 0 : i32
        %dma_wait3A_75 = tpu.memref_slice %arg8[%dma_wait3A_73, %dma_wait3A_74] : memref<16x256xf32, #tpu.memory_space<vmem>> -> memref<1x256xf32, #tpu.memory_space<vmem>>
        tpu.wait_dma2 semaphore(%run_scoped3A : memref<!tpu.dma_semaphore, #tpu.memory_space<semaphore_mem>>) src(%dma_wait3A_75 : memref<1x256xf32, #tpu.memory_space<vmem>>) dst(%dma_wait3A_72 : memref<1x256xf32, #tpu.memory_space<hbm>>)
        tpu.yield
      }) : () -> ()
    } else {
    }
    return
  }
}

module attributes {stable_mosaic.version = 14 : i64} {
  func.func @_dist_body(%arg0: memref<16x256xf32, #tpu.memory_space<vmem>>, %arg1: memref<1024x256xf32, #tpu.memory_space<vmem>>, %arg2: memref<16x1024xf32, #tpu.memory_space<vmem>>) attributes {dimension_semantics = [], scalar_prefetch = 0 : i64, scratch_operands = 0 : i64, tpu.core_type = #tpu.core_type<tc>} {
    %get3A = arith.constant 0 : index
    %get3A_0 = arith.constant 0 : index
    %get3A_1 = vector.load %arg0[%get3A, %get3A_0] : memref<16x256xf32, #tpu.memory_space<vmem>>, vector<16x256xf32>
    %get3A_2 = arith.constant 0 : index
    %get3A_3 = arith.constant 0 : index
    %get3A_4 = vector.load %arg1[%get3A_2, %get3A_3] : memref<1024x256xf32, #tpu.memory_space<vmem>>, vector<1024x256xf32>
    %mul3A = arith.mulf %get3A_1, %get3A_1 : vector<16x256xf32>
    %reduce_sum3A = arith.constant dense<0.000000e+00> : vector<16xf32>
    %reduce_sum3A_5 = vector.multi_reduction <add>, %mul3A, %reduce_sum3A [1] : vector<16x256xf32> to vector<16xf32>
    %broadcast_in_dim3A = vector.shape_cast %reduce_sum3A_5 : vector<16xf32> to vector<16x1xf32>
    %mul3A_6 = arith.mulf %get3A_4, %get3A_4 : vector<1024x256xf32>
    %reduce_sum3A_7 = arith.constant dense<0.000000e+00> : vector<1024xf32>
    %reduce_sum3A_8 = vector.multi_reduction <add>, %mul3A_6, %reduce_sum3A_7 [1] : vector<1024x256xf32> to vector<1024xf32>
    %broadcast_in_dim3A_9 = vector.shape_cast %reduce_sum3A_8 : vector<1024xf32> to vector<1024x1xf32>
    %dot_general3A = arith.constant dense<0.000000e+00> : vector<16x1024xf32>
    %dot_general3A_10 = tpu.matmul %get3A_1, %get3A_4, %dot_general3A {dimension_numbers = #tpu.dot_dimension_numbers<[1], [1], [0], [0], [0, 0, 1, 0], [], []>, transpose_lhs_hint = false} : vector<16x256xf32>, vector<1024x256xf32>, vector<16x1024xf32> -> vector<16x1024xf32>
    %transpose3A = tpu.transpose %broadcast_in_dim3A_9, [1, 0] : vector<1024x1xf32> -> vector<1x1024xf32>
    %add3A = vector.broadcast %broadcast_in_dim3A : vector<16x1xf32> to vector<16x1024xf32>
    %add3A_11 = vector.broadcast %transpose3A : vector<1x1024xf32> to vector<16x1024xf32>
    %add3A_12 = arith.addf %add3A, %add3A_11 : vector<16x1024xf32>
    %mul3A_13 = arith.constant 2.000000e+00 : f32
    %mul3A_14 = vector.broadcast %mul3A_13 : f32 to vector<16x1024xf32>
    %mul3A_15 = arith.mulf %mul3A_14, %dot_general3A_10 : vector<16x1024xf32>
    %sub3A = arith.subf %add3A_12, %mul3A_15 : vector<16x1024xf32>
    %swap3A = arith.constant 0 : index
    %swap3A_16 = arith.constant 0 : index
    %swap3A_17 = vector.load %arg2[%swap3A, %swap3A_16] : memref<16x1024xf32, #tpu.memory_space<vmem>>, vector<16x1024xf32>
    tpu.vector_store %arg2[%swap3A, %swap3A_16], %sub3A {strides = array<i32>} : memref<16x1024xf32, #tpu.memory_space<vmem>>, vector<16x1024xf32>,
    return
  }
}

module attributes {stable_mosaic.version = 14 : i64} {
  func.func @_stats_decoder_body(%arg0: memref<16x256xf32, #tpu.memory_space<vmem>>, %arg1: memref<16x256xf32, #tpu.memory_space<vmem>>, %arg2: memref<16x16xi32, #tpu.memory_space<vmem>>, %arg3: memref<16x1024xf32, #tpu.memory_space<vmem>>, %arg4: memref<1024x256xf32, #tpu.memory_space<vmem>>, %arg5: memref<1024xf32, #tpu.memory_space<vmem>>, %arg6: memref<1024x1024xf32, #tpu.memory_space<vmem>>, %arg7: memref<1024xf32, #tpu.memory_space<vmem>>, %arg8: memref<1024x1024xf32, #tpu.memory_space<vmem>>, %arg9: memref<1024xf32, #tpu.memory_space<vmem>>, %arg10: memref<1024x2048xf32, #tpu.memory_space<vmem>>, %arg11: memref<1024xf32, #tpu.memory_space<vmem>>, %arg12: memref<1024x1024xf32, #tpu.memory_space<vmem>>, %arg13: memref<1024xf32, #tpu.memory_space<vmem>>, %arg14: memref<72x1024xf32, #tpu.memory_space<vmem>>, %arg15: memref<72xf32, #tpu.memory_space<vmem>>, %arg16: memref<1xf32, #tpu.memory_space<smem>>, %arg17: memref<1xf32, #tpu.memory_space<smem>>, %arg18: memref<16x72xf32, #tpu.memory_space<vmem>>) attributes {dimension_semantics = [], scalar_prefetch = 0 : i64, scratch_operands = 0 : i64, tpu.core_type = #tpu.core_type<tc>} {
    %get3A = arith.constant 0 : index
    %get3A_0 = arith.constant 0 : index
    %get3A_1 = vector.load %arg0[%get3A, %get3A_0] : memref<16x256xf32, #tpu.memory_space<vmem>>, vector<16x256xf32>
    %get3A_2 = arith.constant 0 : index
    %get3A_3 = arith.constant 0 : index
    %get3A_4 = vector.load %arg1[%get3A_2, %get3A_3] : memref<16x256xf32, #tpu.memory_space<vmem>>, vector<16x256xf32>
    %get3A_5 = arith.constant 0 : index
    %get3A_6 = arith.constant 0 : index
    %get3A_7 = vector.load %arg2[%get3A_5, %get3A_6] : memref<16x16xi32, #tpu.memory_space<vmem>>, vector<16x16xi32>
    %slice3A = vector.extract_strided_slice %get3A_7 {offsets = [0, 0], sizes = [16, 1], strides = [1, 1]} : vector<16x16xi32> to vector<16x1xi32>
    %sub3A = arith.subf %get3A_4, %get3A_1 : vector<16x256xf32>
    %mul3A = arith.mulf %sub3A, %sub3A : vector<16x256xf32>
    %reduce_sum3A = vector.shape_cast %mul3A : vector<16x256xf32> to vector<1x16x256xf32>
    %reduce_sum3A_8 = arith.constant dense<0.000000e+00> : vector<1xf32>
    %reduce_sum3A_9 = vector.multi_reduction <add>, %reduce_sum3A, %reduce_sum3A_8 [1, 2] : vector<1x16x256xf32> to vector<1xf32>
    %reduce_sum3A_10 = vector.shape_cast %reduce_sum3A_9 : vector<1xf32> to vector<1x1x1xf32>
    %reduce_sum3A_11 = vector.extract %reduce_sum3A_10[0, 0, 0] : f32 from vector<1x1x1xf32>
    %div3A = arith.constant 4.096000e+03 : f32
    %div3A_12 = arith.divf %reduce_sum3A_11, %div3A : f32
    %mul3A_13 = arith.constant 2.500000e-01 : f32
    %mul3A_14 = arith.mulf %mul3A_13, %div3A_12 : f32
    %swap3A = arith.constant 0 : index
    %swap3A_15 = memref.load %arg16[%swap3A] : memref<1xf32, #tpu.memory_space<smem>>
    memref.store %mul3A_14, %arg16[%swap3A] : memref<1xf32, #tpu.memory_space<smem>>
    %iota3A = tpu.iota {dimensions = array<i32: 1>} : vector<16x1024xi32>
    %eq3A = vector.broadcast %slice3A : vector<16x1xi32> to vector<16x1024xi32>
    %eq3A_16 = arith.cmpi eq, %iota3A, %eq3A : vector<16x1024xi32>
    %convert_element_type3A = arith.extui %eq3A_16 : vector<16x1024xi1> to vector<16x1024xi32>
    %convert_element_type3A_17 = arith.sitofp %convert_element_type3A : vector<16x1024xi32> to vector<16x1024xf32>
    %reduce_sum3A_18 = arith.constant dense<0.000000e+00> : vector<1024xf32>
    %reduce_sum3A_19 = vector.multi_reduction <add>, %convert_element_type3A_17, %reduce_sum3A_18 [0] : vector<16x1024xf32> to vector<1024xf32>
    %broadcast_in_dim3A = vector.shape_cast %reduce_sum3A_19 : vector<1024xf32> to vector<1x1024xf32>
    %div3A_20 = arith.constant 1.600000e+01 : f32
    %div3A_21 = vector.broadcast %div3A_20 : f32 to vector<1x1024xf32>
    %div3A_22 = arith.divf %broadcast_in_dim3A, %div3A_21 : vector<1x1024xf32>
    %add3A = arith.constant 1.000000e-10 : f32
    %add3A_23 = vector.broadcast %add3A : f32 to vector<1x1024xf32>
    %add3A_24 = arith.addf %div3A_22, %add3A_23 : vector<1x1024xf32>
    %log3A = math.log %add3A_24 : vector<1x1024xf32>
    %mul3A_25 = arith.mulf %div3A_22, %log3A : vector<1x1024xf32>
    %reduce_sum3A_26 = vector.shape_cast %mul3A_25 : vector<1x1024xf32> to vector<1x1x1024xf32>
    %reduce_sum3A_27 = arith.constant dense<0.000000e+00> : vector<1xf32>
    %reduce_sum3A_28 = vector.multi_reduction <add>, %reduce_sum3A_26, %reduce_sum3A_27 [1, 2] : vector<1x1x1024xf32> to vector<1xf32>
    %reduce_sum3A_29 = vector.shape_cast %reduce_sum3A_28 : vector<1xf32> to vector<1x1x1xf32>
    %reduce_sum3A_30 = vector.extract %reduce_sum3A_29[0, 0, 0] : f32 from vector<1x1x1xf32>
    %neg3A = arith.constant 0.000000e+00 : f32
    %neg3A_31 = arith.subf %neg3A, %reduce_sum3A_30 : f32
    %exp3A = math.exp %neg3A_31 : f32
    %swap3A_32 = arith.constant 0 : index
    %swap3A_33 = memref.load %arg17[%swap3A_32] : memref<1xf32, #tpu.memory_space<smem>>
    memref.store %exp3A, %arg17[%swap3A_32] : memref<1xf32, #tpu.memory_space<smem>>
    %get3A_34 = arith.constant 0 : index
    %get3A_35 = arith.constant 0 : index
    %get3A_36 = vector.load %arg3[%get3A_34, %get3A_35] : memref<16x1024xf32, #tpu.memory_space<vmem>>, vector<16x1024xf32>
    %get3A_37 = arith.constant 0 : index
    %get3A_38 = arith.constant 0 : index
    %get3A_39 = vector.load %arg4[%get3A_37, %get3A_38] : memref<1024x256xf32, #tpu.memory_space<vmem>>, vector<1024x256xf32>
    %dot_general3A = arith.constant dense<0.000000e+00> : vector<16x1024xf32>
    %dot_general3A_40 = tpu.matmul %get3A_4, %get3A_39, %dot_general3A {dimension_numbers = #tpu.dot_dimension_numbers<[1], [1], [0], [0], [0, 0, 1, 0], [], []>, transpose_lhs_hint = false} : vector<16x256xf32>, vector<1024x256xf32>, vector<16x1024xf32> -> vector<16x1024xf32>
    %get3A_41 = arith.constant 0 : index
    %get3A_42 = vector.load %arg5[%get3A_41] : memref<1024xf32, #tpu.memory_space<vmem>>, vector<1024xf32>
    %broadcast_in_dim3A_43 = vector.shape_cast %get3A_42 : vector<1024xf32> to vector<1x1024xf32>
    %add3A_44 = vector.broadcast %broadcast_in_dim3A_43 : vector<1x1024xf32> to vector<16x1024xf32>
    %add3A_45 = arith.addf %dot_general3A_40, %add3A_44 : vector<16x1024xf32>
    %max3A = arith.constant 0.000000e+00 : f32
    %max3A_46 = vector.broadcast %max3A : f32 to vector<16x1024xf32>
    %max3A_47 = arith.maximumf %add3A_45, %max3A_46 : vector<16x1024xf32>
    %get3A_48 = arith.constant 0 : index
    %get3A_49 = arith.constant 0 : index
    %get3A_50 = vector.load %arg6[%get3A_48, %get3A_49] : memref<1024x1024xf32, #tpu.memory_space<vmem>>, vector<1024x1024xf32>
    %dot_general3A_51 = arith.constant dense<0.000000e+00> : vector<16x1024xf32>
    %dot_general3A_52 = tpu.matmul %max3A_47, %get3A_50, %dot_general3A_51 {dimension_numbers = #tpu.dot_dimension_numbers<[1], [1], [0], [0], [0, 0, 1, 0], [], []>, transpose_lhs_hint = false} : vector<16x1024xf32>, vector<1024x1024xf32>, vector<16x1024xf32> -> vector<16x1024xf32>
    %get3A_53 = arith.constant 0 : index
    %get3A_54 = vector.load %arg7[%get3A_53] : memref<1024xf32, #tpu.memory_space<vmem>>, vector<1024xf32>
    %broadcast_in_dim3A_55 = vector.shape_cast %get3A_54 : vector<1024xf32> to vector<1x1024xf32>
    %add3A_56 = vector.broadcast %broadcast_in_dim3A_55 : vector<1x1024xf32> to vector<16x1024xf32>
    %add3A_57 = arith.addf %dot_general3A_52, %add3A_56 : vector<16x1024xf32>
    %max3A_58 = arith.constant 0.000000e+00 : f32
    %max3A_59 = vector.broadcast %max3A_58 : f32 to vector<16x1024xf32>
    %max3A_60 = arith.maximumf %add3A_57, %max3A_59 : vector<16x1024xf32>
    %get3A_61 = arith.constant 0 : index
    %get3A_62 = arith.constant 0 : index
    %get3A_63 = vector.load %arg8[%get3A_61, %get3A_62] : memref<1024x1024xf32, #tpu.memory_space<vmem>>, vector<1024x1024xf32>
    %dot_general3A_64 = arith.constant dense<0.000000e+00> : vector<16x1024xf32>
    %dot_general3A_65 = tpu.matmul %get3A_36, %get3A_63, %dot_general3A_64 {dimension_numbers = #tpu.dot_dimension_numbers<[1], [1], [0], [0], [0, 0, 1, 0], [], []>, transpose_lhs_hint = false} : vector<16x1024xf32>, vector<1024x1024xf32>, vector<16x1024xf32> -> vector<16x1024xf32>
    %get3A_66 = arith.constant 0 : index
    %get3A_67 = vector.load %arg9[%get3A_66] : memref<1024xf32, #tpu.memory_space<vmem>>, vector<1024xf32>
    %broadcast_in_dim3A_68 = vector.shape_cast %get3A_67 : vector<1024xf32> to vector<1x1024xf32>
    %add3A_69 = vector.broadcast %broadcast_in_dim3A_68 : vector<1x1024xf32> to vector<16x1024xf32>
    %add3A_70 = arith.addf %dot_general3A_65, %add3A_69 : vector<16x1024xf32>
    %max3A_71 = arith.constant 0.000000e+00 : f32
    %max3A_72 = vector.broadcast %max3A_71 : f32 to vector<16x1024xf32>
    %max3A_73 = arith.maximumf %add3A_70, %max3A_72 : vector<16x1024xf32>
    %concatenate3A = tpu.concatenate %max3A_60, %max3A_73 in 1 : vector<16x1024xf32>, vector<16x1024xf32> -> vector<16x2048xf32>
    %get3A_74 = arith.constant 0 : index
    %get3A_75 = arith.constant 0 : index
    %get3A_76 = vector.load %arg10[%get3A_74, %get3A_75] : memref<1024x2048xf32, #tpu.memory_space<vmem>>, vector<1024x2048xf32>
    %dot_general3A_77 = arith.constant dense<0.000000e+00> : vector<16x1024xf32>
    %dot_general3A_78 = tpu.matmul %concatenate3A, %get3A_76, %dot_general3A_77 {dimension_numbers = #tpu.dot_dimension_numbers<[1], [1], [0], [0], [0, 0, 1, 0], [], []>, transpose_lhs_hint = false} : vector<16x2048xf32>, vector<1024x2048xf32>, vector<16x1024xf32> -> vector<16x1024xf32>
    %get3A_79 = arith.constant 0 : index
    %get3A_80 = vector.load %arg11[%get3A_79] : memref<1024xf32, #tpu.memory_space<vmem>>, vector<1024xf32>
    %broadcast_in_dim3A_81 = vector.shape_cast %get3A_80 : vector<1024xf32> to vector<1x1024xf32>
    %add3A_82 = vector.broadcast %broadcast_in_dim3A_81 : vector<1x1024xf32> to vector<16x1024xf32>
    %add3A_83 = arith.addf %dot_general3A_78, %add3A_82 : vector<16x1024xf32>
    %max3A_84 = arith.constant 0.000000e+00 : f32
    %max3A_85 = vector.broadcast %max3A_84 : f32 to vector<16x1024xf32>
    %max3A_86 = arith.maximumf %add3A_83, %max3A_85 : vector<16x1024xf32>
    %get3A_87 = arith.constant 0 : index
    %get3A_88 = arith.constant 0 : index
    %get3A_89 = vector.load %arg12[%get3A_87, %get3A_88] : memref<1024x1024xf32, #tpu.memory_space<vmem>>, vector<1024x1024xf32>
    %dot_general3A_90 = arith.constant dense<0.000000e+00> : vector<16x1024xf32>
    %dot_general3A_91 = tpu.matmul %max3A_86, %get3A_89, %dot_general3A_90 {dimension_numbers = #tpu.dot_dimension_numbers<[1], [1], [0], [0], [0, 0, 1, 0], [], []>, transpose_lhs_hint = false} : vector<16x1024xf32>, vector<1024x1024xf32>, vector<16x1024xf32> -> vector<16x1024xf32>
    %get3A_92 = arith.constant 0 : index
    %get3A_93 = vector.load %arg13[%get3A_92] : memref<1024xf32, #tpu.memory_space<vmem>>, vector<1024xf32>
    %broadcast_in_dim3A_94 = vector.shape_cast %get3A_93 : vector<1024xf32> to vector<1x1024xf32>
    %add3A_95 = vector.broadcast %broadcast_in_dim3A_94 : vector<1x1024xf32> to vector<16x1024xf32>
    %add3A_96 = arith.addf %dot_general3A_91, %add3A_95 : vector<16x1024xf32>
    %max3A_97 = arith.constant 0.000000e+00 : f32
    %max3A_98 = vector.broadcast %max3A_97 : f32 to vector<16x1024xf32>
    %max3A_99 = arith.maximumf %add3A_96, %max3A_98 : vector<16x1024xf32>
    %get3A_100 = arith.constant 0 : index
    %get3A_101 = arith.constant 0 : index
    %get3A_102 = vector.load %arg14[%get3A_100, %get3A_101] : memref<72x1024xf32, #tpu.memory_space<vmem>>, vector<72x1024xf32>
    %dot_general3A_103 = arith.constant dense<0.000000e+00> : vector<16x72xf32>
    %dot_general3A_104 = tpu.matmul %max3A_99, %get3A_102, %dot_general3A_103 {dimension_numbers = #tpu.dot_dimension_numbers<[1], [1], [0], [0], [0, 0, 1, 0], [], []>, transpose_lhs_hint = false} : vector<16x1024xf32>, vector<72x1024xf32>, vector<16x72xf32> -> vector<16x72xf32>
    %get3A_105 = arith.constant 0 : index
    %get3A_106 = vector.load %arg15[%get3A_105] : memref<72xf32, #tpu.memory_space<vmem>>, vector<72xf32>
    %broadcast_in_dim3A_107 = vector.shape_cast %get3A_106 : vector<72xf32> to vector<1x72xf32>
    %add3A_108 = vector.broadcast %broadcast_in_dim3A_107 : vector<1x72xf32> to vector<16x72xf32>
    %add3A_109 = arith.addf %dot_general3A_104, %add3A_108 : vector<16x72xf32>
    %swap3A_110 = arith.constant 0 : index
    %swap3A_111 = arith.constant 0 : index
    %swap3A_112 = vector.load %arg18[%swap3A_110, %swap3A_111] : memref<16x72xf32, #tpu.memory_space<vmem>>, vector<16x72xf32>
    tpu.vector_store %arg18[%swap3A_110, %swap3A_111], %add3A_109 {strides = array<i32>} : memref<16x72xf32, #tpu.memory_space<vmem>>, vector<16x72xf32>,
    return
  }
}

</mosaic_0001>

<sc_bundles>
// kernel: kernel.5.cloned.1.call-start
scs
__scs_entry_jumppad:
0x0: {  	(pc) =	sbr.rel $0x88, $3  }
0x1: {  	(tag) =	ssettag $0x0;
	lr =	simm.s32 $0x1  }
0x2: {  	[smem:$0x3F77] =	sst lr;
	_ =	strace $0xD0000000  }
0x3: {  	_ = 	snop  }
0x4: {  	_ = 	snop  }
0x5: {  	_ = 	snop  }
0x6: {  	_ = 	snop  }
0x7: {  	_ = 	snop  }
__scs_overlays_trampoline_lowered:
0x8: {  	[smem:$0x3F86] =	sst s0  }
0x9: {  	[smem:$0x3F87] =	sst s1  }
0xa: {  	[smem:$0x3F88] =	sst s2  }
0xb: {  	[smem:$0x3F89] =	sst s3  }
0xc: {  	[smem:$0x3F8A] =	sst s4  }
0xd: {  	[smem:$0x3F8B] =	sst s5  }
0xe: {  	[smem:$0x3F8C] =	sst s6  }
0xf: {  	[smem:$0x3F8D] =	sst s7  }
0x10: {  	[smem:$0x3F8E] =	sst s8  }
0x11: {  	[smem:$0x3F8F] =	sst s9;
	s0 =	simm.s32 @!p0 $0x0  }
0x12: {  	s1 =	sld [smem:$0x3F75];
	s0 =	simm.s32 @p0 $0x1  }
0x13: {  	[smem:$0x3F90] =	sst s0;
	s0 =	simm.s32 @!p1 $0x0  }
0x14: {  	s2 =	sld [smem:$0x3F74];
	s0 =	simm.s32 @p1 $0x1  }
0x15: {  	[smem:$0x3F91] =	sst s0;
	s0 =	simm.s32 @!p2 $0x0  }
0x16: {  	s3 =	sld [smem:$0x3FDB];
	s0 =	simm.s32 @p2 $0x1  }
0x17: {  	s4 =	simm.s32 $0x1BF5;
	[smem:$0x3F93] =	sst s0  }
0x18: {  	s0 =	sld [smem:$0x3F76];
	_ =	swait.ge [sflag:s4], $0x0  }
0x19: {  	s7 =	sld [smem:$0x3F77]  }
0x1a: {  	s8 =	sadd.s32 $0xFFFFE003, lr  }
0x1b: {  	s9 =	sadd.s32 $0xFFFFFEF7, lr;
	s5 =	simm.s32 $0xFFFFFFFF;
	p2 =	slt.u32 s8, $0xFFFFF086  }
0x1c: {  	p1 =	slt.u32 s9, $0xF7A;
	s5 =	simm.s32 @!p2 $0x0  }
0x1d: {  	s5 =	simm.s32 @p1 $0x1;
	p0 =	seq.s32 s7, s2  }
0x1e: {  	s7 =	smul.u32 @!p0 $0xF7A, s2;
	p2 =	seq.s32 @!p0 s5, $0x0  }
0x1f: {  	s9 =	smul.u32 $0xF7A, s1;
	s8 =	simm.s32 @!p0 $0x1BF5;
	p2 =	por !p2, p0  }
0x20: {  	[sflag:s8] =	ssyncset.s32 @!p0 $0xFFFFF086;
	s6 =	sadd.s32 @!p0 s3, s7;
	s7 =	simm.s32 @!p0 $0x108  }
0x21: {  	s3 =	sadd.s32 s3, s9;
	s6 =	sadd.s32 @!p0 $0x88, s6;
	s7 =	simm.s32 @p2 $0x1082  }
0x22: {  	[simem:s7], [sflag:s8] =	dma.local @!p0 [hbm:s6], $0xF7A  }
0x23: {  	s9 =	sor.u32 $0xD0000000, s2;
	s6 =	simm.s32 $0x108;
	_ =	swait.ge @!p0 [sflag:s8], $0x0  }
0x24: {  	s3 =	sadd.s32 $0x88, s3;
	s6 =	simm.s32 @!p1 $0x1082;
	[sflag:s4] =	ssyncset.s32 $0xFFFFF086  }
0x25: {  	[simem:s6], [sflag:s4] =	dma.local [hbm:s3], $0xF7A  }
0x26: {  	[smem:$0x3F77] =	sst s1;
	(tag) =	ssettag s2;
	_ =	strace s9  }
0x27: {  	s1 =	sld [smem:$0x3F87]  }
0x28: {  	s2 =	sld [smem:$0x3F88]  }
0x29: {  	s4 =	sld [smem:$0x3F8A]  }
0x2a: {  	p0 =	seq.s32 s5, $0x0;
	s5 =	sld [smem:$0x3F8B]  }
0x2b: {  	s6 =	sld [smem:$0x3F8C]  }
0x2c: {  	s7 =	sld [smem:$0x3F8D]  }
0x2d: {  	s3 =	simm.s32 $0x108;
	s8 =	sld [smem:$0x3F8E]  }
0x2e: {  	s3 =	simm.s32 @!p0 $0x1082;
	s9 =	sld [smem:$0x3F8F]  }
0x2f: {  	lr =	sadd.s32 s0, s3;
	s0 =	sld [smem:$0x3F86]  }
0x30: {  	s3 =	sld [smem:$0x3F89]  }
0x31: {  	[smem:$0x3F92] =	sst s10  }
0x32: {  	s10 =	sld [smem:$0x3F90];
	_ =	sdelay $0x3  }
0x33: {  	p0 =	seq.s32 s10, $0x1;
	s10 =	sld [smem:$0x3F92];
	_ =	sdelay $0x3  }
0x34: {  	[smem:$0x3F92] =	sst s10  }
0x35: {  	s10 =	sld [smem:$0x3F91];
	_ =	sdelay $0x3  }
0x36: {  	p1 =	seq.s32 s10, $0x1;
	s10 =	sld [smem:$0x3F92];
	_ =	sdelay $0x3  }
0x37: {  	[smem:$0x3F92] =	sst s10  }
0x38: {  	s10 =	sld [smem:$0x3F93]  }
0x39: {  	_ = 	snop;
	(pc) =	sbr.ind lr, $3  }
0x3a: {  	_ = 	snop  }
0x3b: {  	_ = 	snop  }
0x3c: {  	p2 =	seq.s32 s10, $0x1;
	s10 =	sld [smem:$0x3F92]  }
0x3d: {  	_ =	shalt  }
0x3e: {  	_ =	shalt  }
0x3f: {  	_ =	shalt  }
0x40: {  	_ =	shalt  }
0x41: {  	_ =	shalt  }
0x42: {  	_ =	shalt  }
0x43: {  	_ =	shalt  }
0x44: {  	_ =	shalt  }
0x45: {  	_ =	shalt  }
0x46: {  	_ =	shalt  }
0x47: {  	_ =	shalt  }
0x48: {  	_ =	shalt  }
0x49: {  	_ =	shalt  }
0x4a: {  	_ =	shalt  }
0x4b: {  	_ =	shalt  }
0x4c: {  	_ =	shalt  }
0x4d: {  	_ =	shalt  }
0x4e: {  	_ =	shalt  }
0x4f: {  	_ =	shalt  }
0x50: {  	_ =	shalt  }
0x51: {  	_ =	shalt  }
0x52: {  	_ =	shalt  }
0x53: {  	_ =	shalt  }
0x54: {  	_ =	shalt  }
0x55: {  	_ =	shalt  }
0x56: {  	_ =	shalt  }
0x57: {  	_ =	shalt  }
0x58: {  	_ =	shalt  }
0x59: {  	_ =	shalt  }
0x5a: {  	_ =	shalt  }
0x5b: {  	_ =	shalt  }
0x5c: {  	_ =	shalt  }
0x5d: {  	_ =	shalt  }
0x5e: {  	_ =	shalt  }
0x5f: {  	_ =	shalt  }
0x60: {  	_ =	shalt  }
0x61: {  	_ =	shalt  }
0x62: {  	_ =	shalt  }
0x63: {  	_ =	shalt  }
0x64: {  	_ =	shalt  }
0x65: {  	_ =	shalt  }
0x66: {  	_ =	shalt  }
0x67: {  	_ =	shalt  }
0x68: {  	_ =	shalt  }
0x69: {  	_ =	shalt  }
0x6a: {  	_ =	shalt  }
0x6b: {  	_ =	shalt  }
0x6c: {  	_ =	shalt  }
0x6d: {  	_ =	shalt  }
0x6e: {  	_ =	shalt  }
0x6f: {  	_ =	shalt  }
0x70: {  	_ =	shalt  }
0x71: {  	_ =	shalt  }
0x72: {  	_ =	shalt  }
0x73: {  	_ =	shalt  }
0x74: {  	_ =	shalt  }
0x75: {  	_ =	shalt  }
0x76: {  	_ =	shalt  }
0x77: {  	_ =	shalt  }
0x78: {  	_ =	shalt  }
0x79: {  	_ =	shalt  }
0x7a: {  	_ =	shalt  }
0x7b: {  	_ =	shalt  }
0x7c: {  	_ =	shalt  }
0x7d: {  	_ =	shalt  }
0x7e: {  	_ =	shalt  }
0x7f: {  	_ =	shalt  }
0x80: {  	_ =	shalt  }
0x81: {  	_ =	shalt  }
0x82: {  	_ =	shalt  }
0x83: {  	_ =	shalt  }
0x84: {  	_ =	shalt  }
0x85: {  	_ =	shalt  }
0x86: {  	_ =	shalt  }
0x87: {  	_ =	shalt  }
.Lfunc_end0:
.L_simem_size_0:
called_computation_lowered:
.L_overlay_start_0:
0x88: {  	s2 =	sld [smem:$0x3FD9]  }
0x89: {  	s3 =	sld [smem:$0x3FFE];
	_ =	sdelay $0x1  }
0x8a: {  	s1 =	srdreg.scid  }
0x8b: {  	s0 =	sand.u32 $0x1, s1  }
0x8c: {  	s17 =	sshll.u32 s0, $0xA;
	s2 =	sadd.s32 s3, s2  }
0x8d: {  	s2 =	sadd.s32 s2, s17  }
0x8e: {  	[smem:$0x3F9E] =	sst s2  }
0x8f: {  	_ = 	snop  }
0x90: {  	s2 =	sld [smem:$0x3FA4];
	(tm) =	ssettm $0x1  }
0x91: {  	s18 =	sld [smem:$0x3FFB];
	_ =	sdelay $0x3  }
0x92: {  	_ =	strace s18  }
0x93: {  	s3 =	sld [smem:$0x3FFC];
	_ =	sdelay $0x3  }
0x94: {  	_ =	strace s3  }
0x95: {  	s3 =	sld [smem:$0x3FFD];
	_ =	sdelay $0x3  }
0x96: {  	_ =	strace s3  }
0x97: {  	_ =	strace $0x8FFFFFFF  }
0x98: {  	s19 =	sld [smem:$0x3FDB];
	_ =	sdelay $0x1  }
0x99: {  	s4 =	simm.s32 $_scs_section_size  }
0x9a: {  	s5 =	simm.s32 $_size__tile_overlayer_lowered;
	s6 =	simm.s32 $_tile_overlayer_lowered  }
0x9b: {  	s22 =	simm.s32 $0x1BFF;
	s21 =	sshll.u32 s6, $0x1;
	s3 =	sadd.s32 s4, s19  }
0x9c: {  	s7 =	simm.s32 $0x0;
	s20 =	sshll.u32 s5, $0x1;
	s5 =	sadd.s32 s21, s3  }
0x9d: {  	[timem:s7], [sflag:s22] =	dma.local [hbm:s5], s20  }
0x9e: {  	_ =	swait.ge [sflag:s22], s20  }
0x9f: {  	s4 =	ssub.s32 $0x0, s20;
	[sflag:s22] =	ssyncset.done $0x0  }
0xa0: {  	[sflag:s22] =	ssyncadd.s32 s4;
	_ =	sdelay $0x1  }
0xa1: {  	s23 =	simm.s32 $0x1B8B  }
0xa2: {  	_ =	swait.ge [sflag:s23], $0x1  }
0xa3: {  	[sflag:s23] =	ssyncset.done $0x0  }
0xa4: {  	s25 =	simm.s32 $0x1B8E;
	s24 =	sld [smem:$0x3FFE];
	[sflag:s23] =	ssyncadd.s32 $0xFFFFFFFF  }
0xa5: {  	s26 =	simm.s32 $execute0_lowered;
	[smem:$0x3FD2] =	sst s25  }
0xa6: {  	s5 =	sshll.u32 s26, $0x1;
	_ =	strace $0x80000046;
	[dreg:$0x1] =	wrdreg $0xFFFFFFFF  }
0xa7: {  	s28 =	simm.s32 $_size_execute0_lowered;
	s3 =	sadd.s32 s3, s5;
	[dreg:$0x0] =	wrdreg $0x0  }
0xa8: {  	s5 =	sshll.u32 s28, $0x1;
	[dreg:$0x2] =	wrdreg s3  }
0xa9: {  	[dreg:$0x3] =	wrdreg s5  }
0xaa: {  	[dreg:$0x4] =	wrdreg $0xC0  }
0xab: {  	_ =	task [dreg:s7], $0x5FFFF  }
0xac: {  	[dreg:$0x1] =	wrdreg $0xFFFFFFFF  }
0xad: {  	[dreg:$0x0] =	wrdreg $0x60  }
0xae: {  	[dreg:$0x2] =	wrdreg s24  }
0xaf: {  	[dreg:$0x3] =	wrdreg s2  }
0xb0: {  	[dreg:$0x4] =	wrdreg $0x9  }
0xb1: {  	_ =	task.clear_ibuf [dreg:s7], $0x5FFFF;
	_ =	strace $0x90000046  }
0xb2: {  	s29 =	simm.s32 $0x9;
	_ =	strace $0x80000048  }
0xb3: {  	_ =	swait.ge [sflag:s29], $0x1  }
0xb4: {  	[sflag:s29] =	ssyncadd.s32 $0xFFFFFFFF  }
0xb5: {  	_ =	strace $0x90000048  }
0xb6: {  	_ =	sfence  }
0xb7: {  	s30 =	sld [smem:$0x0];
	_ =	sdelay $0x2  }
0xb8: {  	s31 =	sshll.u32 s1, $0xD;
	s1 =	sshrl.u32 s1, $0x2  }
0xb9: {  	s3 =	sand.u32 $0x4000, s31;
	s1 =	sadd.s32 s1, s30  }
0xba: {  	s0 =	sor.u32 s3, s0;
	s1 =	sshll.u32 s1, $0x11  }
0xbb: {  	s0 =	sor.u32 s1, s0  }
0xbc: {  	s0 =	sadd.s32 $0x8F2B, s0  }
0xbd: {  	[sflag:s0] =	ssyncadd.remote.s32 $0x1  }
0xbe: {  	_ =	sfence.sel $0xFFFF  }
0xbf: {  	[dreg:$0x0] =	wrdreg $0xFFFFFFFF;
	(pc) =	sbr.abs _section_cstart, $3  }
0xc0: {  	[dreg:$0x1] =	wrdreg $0xFFFFFFFF  }
0xc1: {  	_ =	task.clear_ibuf [dreg:s7], $0x2FFFF;
	_ =	strace $0x9FFFFFFF  }
0xc2: {  	(tm) =	ssettm $0x7FFFFFFF  }
0xc3: {  	_ =	shalt  }
tec
execute0_lowered:
.L_overlay_start_1:
0x0: {  	(tag) =	ssettag $0x1  }
0x1: {  	s1 =	stileid.u32  }
0x2: {  	p0 =	sgt.u32 s1, $0x7  }
.Ltmp0:
0x3: {  	_ = 	snop;
	(pc) =	sbr.rel @p0 .LBB2_5-.Ltmp0, $4  }
0x4: {  	s4 =	rddreg [dreg:$0x0]  }
0x5: {  	s2 =	rddreg [dreg:$0x1];
	s3 =	simm.s32 $0x0  }
0x6: {  	[smem:$0x7FF] =	sst s3  }
0x7: {  	s0 =	rddreg [dreg:$0x2];
	_ =	strace $0x80000047  }
0x8: {  	s5 =	srdreg.scid;
	s6 =	sshll.u32 s1, $0x8  }
0x9: {  	s7 =	sshrl.u32 s1, $0x2;
	s10 =	sadd.s32 $0x5800, s4;
	s11 =	simm.s32 $0x480  }
0xa: {  	s12 =	simm.s32 $0xC80;
	s13 =	simm.s32 $0x1;
	s15 =	simm.s32 $0x880  }
0xb: {  	s16 =	simm.s32 $0x0;
	s5 =	sand.u32 $0x1, s5;
	s6 =	sand.u32 $0x300, s6  }
0xc: {  	s28 =	sshll.u32 s7, $0xB;
	s9 =	sshll.u32 s7, $0xA;
	s8 =	sshll.u32 s5, $0x7  }
0xd: {  	s7 =	sshll.u32 s7, $0xD;
	s5 =	ssub.s32 $0x2, s5;
	s6 =	sor.u32 s8, s6  }
0xe: {  	s30 =	sshrl.u32 s5, $0x1;
	s8 =	sor.u32 s28, s6;
	s9 =	sor.u32 s9, s6  }
0xf: {  	s6 =	sor.u32 s7, s6;
	s31 =	ssub.s32 s5, s30;
	s8 =	sshrl.u32 s8, $0x3  }
0x10: {  	v0 =	vlaneseq.u32;
	s9 =	sshrl.u32 s9, $0x3;
	s6 =	sshrl.u32 s6, $0x3;
	s7 =	smax.u32 s31, $0x1  }
0x11: {  	v1 =	vmul.u32 $0xFFFFFFFF, v0;
	s8 =	sadd.s32 s8, s4;
	s29 =	sadd.s32 s9, s4;
	s6 =	sadd.s32 s10, s6  }
0x12: {  	vm0 =	vmmov $0xffff;
	v3 =	vshrl.u32 v0, $0x3;
	v2 =	vand.u32 $0x7, v0;
	s9 =	simm.s32 $0x400;
	s10 =	simm.s32 $0x2;
	s5 =	sadd.s32 $0x6000, s8  }
0x13: {  	v4 =	vor.u32 $0x8, v0;
	v3 =	vmul.u32 $0x8, v3;
	v1 =	vadd.s32 $0xF, v1;
	s4 =	sadd.s32 $0x6200, s29;
	s8 =	simm.s32 $0x80;
	s14 =	sadd.s32 $0x80, s5  }
.LBB2_2:
0x14: {  	s18 =	simm.s32 $0x0  }
0x15: {  	[tilespmem:s18], [sflag:$0x2] =	stream.strided.gather [hbm4b:s6+s8], $0x400, s9, s8, $0x38;
	[tilespmem:$0x1480] =	vst v63  }
0x16: {  	_ =	swait.ge [sflag:s10], $0x400  }
0x17: {  	[sflag:s10] =	ssyncset.done $0x0  }
0x18: {  	[sflag:s10] =	ssyncadd.s32 $0xFFFFFC00  }
0x19: {  	v6 =	vld [tilespmem:s18+$0x0];
	_ =	sdelay $0x3  }
0x1a: {  	v7 =	vimm.f32 $+Inf  }
0x1b: {  	v5 =	vimm.s32 $0x400;
	s17 =	simm.s32 $0x10;
	v8 =	vor.u32 s18, v0;
	s18 =	simm.s32 $0x10;
	vm1 =	vlt.f32 v6, v7  }
.LBB2_3:
0x1c: {  	p0 =	sne.s32 s17, $0x3F0;
	v7 =	vsel vm1, v6, v7;
	v6 =	vld [tilespmem:s18+$0x0];
	v5 =	vsel vm1, v8, v5;
	s19 =	smov.u32 s17;
	s17 =	sadd.s32 $0x10, s17  }
.Ltmp1:
0x1d: {  	(pc) =	sbr.rel @p0 .LBB2_3-.Ltmp1, $2  }
0x1e: {  	_ =	sdelay $0x2  }
0x1f: {  	s18 =	sadd.s32 $0x10, s18;
	v8 =	vor.u32 s19, v0;
	vm1 =	vlt.f32 v6, v7  }
0x20: {  	v6 =	vsel vm1, v6, v7  }
0x21: {  	v7 =	vsub.f32 $0.0e+00, v6;
	_ =	sdelay $0x1  }
0x22: {  	(xrf0) =	vmax.scan.msk.f32 $0xffff, v7;
	_ =	sdelay $0x5  }
0x23: {  	v7, _, _ =	vpop (xrf0)  }
0x24: {  	v7 =	vperm.xlane v7, v1;
	_ =	sdelay $0x1  }
0x25: {  	(xrf0) =	vmax.scan.msk.f32 $0xffff, v7;
	_ =	sdelay $0x5  }
0x26: {  	v7, _, _ =	vpop (xrf0)  }
0x27: {  	v5 =	vsel vm1, v8, v5;
	v7 =	vxor.u32 $0x80000000, v7  }
0x28: {  	v5 =	vsub.s32 $0x80000000, v5;
	vm1 =	veq.f32 v6, v7  }
0x29: {  	v5 =	vnsel vm1, $0x7FFFFC00, v5  }
0x2a: {  	(xrf0) =	vmax.scan.msk.u32 $0xffff, v5;
	_ =	sdelay $0x5  }
0x2b: {  	v5, _, _ =	vpop (xrf0)  }
0x2c: {  	v5 =	vxor.u32 $0x80000000, v5  }
0x2d: {  	v5 =	vperm.xlane v5, v1;
	_ =	sdelay $0x1  }
0x2e: {  	v5 =	vxor.u32 $0x80000000, v5  }
0x2f: {  	(xrf0) =	vmax.scan.msk.u32 $0xffff, v5;
	_ =	sdelay $0x5  }
0x30: {  	v5, _, _ =	vpop (xrf0)  }
0x31: {  	v5 =	vxor.u32 $0x7FFFFFFF, v5  }
0x32: {  	v5 =	vadd.s32 $0x1, v5  }
0x33: {  	v6 =	vshll.u32 v5, $0x1  }
0x34: {  	v7 =	vand.u32 $0x7, v5;
	v6 =	vand.u32 $0xFFFFFFF0, v6  }
0x35: {  	v6 =	vor.u32 v7, v6  }
0x36: {  	v7 =	vperm.xlane v6, v2;
	_ =	sdelay $0x1  }
0x37: {  	[tilespmem:$0x400] =	vst v5;
	v6 =	vperm.xlane v6, v4;
	v5 =	vadd.s32 v3, v7  }
0x38: {  	[hbm4b:s4+s3] =	stream.linear.scatter [tilespmem:s9], [sflag:$0x2], $0x80, $0x38;
	[tilespmem:$0x1480] =	vst v63  }
0x39: {  	_ =	swait.ge [sflag:s10], $0x80;
	v6 =	vadd.s32 v3, v6  }
0x3a: {  	[sflag:s10] =	ssyncset.done $0x0  }
0x3b: {  	[sflag:s10] =	ssyncadd.s32 $0xFFFFFF80  }
0x3c: {  	[tilespmem:s11], [sflag:$0x1] =	stream.indirect_vreg.gather [hbm4b:s2+s3], $0x80, v5, vm0, $0xb8;
	[tilespmem:$0x1480] =	vst v63  }
0x3d: {  	_ = 	snop  }
0x3e: {  	[tilespmem:s12], [sflag:$0x1] =	stream.indirect_vreg.gather [hbm4b:s2+s3], $0x80, v6, vm0, $0xb8;
	[tilespmem:$0x1480] =	vst v63  }
0x3f: {  	_ =	swait.ge [sflag:s13], $0x1000  }
0x40: {  	s16 =	sadd.s32 $0x1, s16;
	[sflag:s13] =	ssyncset.done $0x0  }
0x41: {  	p0 =	sne.s32 s16, s7;
	[sflag:s13] =	ssyncadd.s32 $0xFFFFF000  }
0x42: {  	[hbm4b:s5+s3] =	stream.linear.scatter [tilespmem:s11], [sflag:$0x2], $0x80, $0x38;
	[tilespmem:$0x1480] =	vst v63  }
.Ltmp2:
0x43: {  	_ = 	snop;
	(pc) =	sbr.rel @p0 .LBB2_2-.Ltmp2, $4  }
0x44: {  	[hbm4b:s14+s3] =	stream.linear.scatter [tilespmem:s15], [sflag:$0x2], $0x80, $0x38;
	[tilespmem:$0x1480] =	vst v63  }
0x45: {  	_ =	swait.ge [sflag:s10], $0x100  }
0x46: {  	[sflag:s10] =	ssyncset.done $0x0  }
0x47: {  	[sflag:s10] =	ssyncadd.s32 $0xFFFFFF00  }
.LBB2_5:
0x48: {  	_ =	sfence.sel $0x180000  }
0x49: {  	[bflag:$0x0] =	sbarrier.arrive $0xFFFF  }
0x4a: {  	p0 =	sne.s32 s1, $0x0;
	_ =	strace $0x90000047  }
0x4b: {  	s0 =	sadd.s32 @!p0 $0x100000, s0;
	[bflag:$0x2] =	sbarrier.arrive $0xFFFF  }
0x4c: {  	[sflag:s0] =	ssyncadd.tile.s32 @!p0 $0x1;
	_ =	shalt  }
.Lfunc_end2:
_tile_overlayer_lowered:
.L_overlay_start_2:
0x4d: {  	(tag) =	ssettag $0x2  }
0x4e: {  	s0 =	rddreg [dreg:$0x0];
	s2 =	stileid.u32  }
0x4f: {  	s1 =	rddreg [dreg:$0x1];
	p0 =	sne.s32 s2, $0x0  }
0x50: {  	s3 =	rddreg [dreg:$0x2];
	[bflag:$0x3] =	sbarrier.arrive $0xFFFF;
	s2 =	simm.s32 @!p0 $0x1C02  }
0x51: {  	[timem:s3], [sflag:s2] =	dma.local @!p0 [hbm:s0], s1  }
0x52: {  	s0 =	simm.s32 @!p0 $0x2  }
0x53: {  	_ =	swait.ge @!p0 [sflag:s0], s1  }
0x54: {  	s1 =	ssub.s32 @!p0 $0x0, s1;
	[sflag:s0] =	ssyncset.done @!p0 $0x0  }
0x55: {  	[sflag:s0] =	ssyncadd.s32 @!p0 s1  }
0x56: {  	[bflag:$0x3] =	sbarrier.arrive $0xFFFF  }
0x57: {  	_ =	shalt  }

</sc_bundles>
